<compile_context>
chip_gen: v7x
topology: tpu7x:2x2x1
jax: 0.10.2.dev20260603
libtpu: 0.0.44.dev20260713+nightly
codegen_flags: <defaults>
</compile_context>

<pallas_src>
import functools

import jax
import jax.numpy as jnp
from jax import lax
from jax.experimental import pallas as pl
from jax.experimental.pallas import tpu as pltpu
from jax.experimental.pallas import tpu_sc as plsc

_B = 512
_D_IN = 1024
_D_OUT = 128
_NEG = -1e30
_POS = 1e30

_NC = 2
_NS = 16
_NW = _NC * _NS
_RPW = _B // _NW
_LANES = 16
_CH = _B // _LANES


def _dist_body(x_ref, t_ref, w_ref, b_ref, e_ref):
    h = jnp.dot(x_ref[...], w_ref[...], preferred_element_type=jnp.float32)
    h = h + b_ref[...]
    sq = jnp.sum(h * h, axis=1)
    g = lax.dot_general(
        h, h, (((1,), (1,)), ((), ())), preferred_element_type=jnp.float32
    )
    d2 = jnp.maximum(sq[:, None] + sq[None, :] - 2.0 * g, 0.0)

    t = t_ref[...]
    same = jnp.transpose(t) == t
    ri = lax.broadcasted_iota(jnp.int32, (_B, _B), 0)
    ci = lax.broadcasted_iota(jnp.int32, (_B, _B), 1)
    pos = same & (ri != ci)
    e_ref[...] = jnp.where(
        pos, d2 + 1.0, jnp.where(same, 0.5, -1.0 / (1.0 + d2))
    )


@functools.partial(
    pl.kernel,
    mesh=plsc.VectorSubcoreMesh(core_axis_name="c", subcore_axis_name="s"),
    compiler_params=pltpu.CompilerParams(needs_layout_passes=False),
    out_type=[
        jax.ShapeDtypeStruct((_B,), jnp.float32),
        jax.ShapeDtypeStruct((_B,), jnp.float32),
    ],
    scratch_types=[
        pltpu.VMEM((_RPW, _B), jnp.float32),
        pltpu.VMEM((_RPW * _LANES,), jnp.float32),
        pltpu.VMEM((_RPW * _LANES,), jnp.float32),
        pltpu.VMEM((_RPW,), jnp.float32),
        pltpu.VMEM((_RPW,), jnp.float32),
    ],
)
def _mine(e_hbm, hp_hbm, hn_hbm, e_v, tp_v, tn_v, hp_v, hn_v):
    wid = lax.axis_index("s") * _NC + lax.axis_index("c")
    base = wid * _RPW
    pltpu.sync_copy(e_hbm.at[pl.ds(base, _RPW)], e_v)
    lane16 = lax.iota(jnp.int32, _LANES) * _RPW

    def row_body(r, _):
        v0 = e_v[r, pl.ds(0, _LANES)]
        pacc = v0
        nacc = v0
        for c in range(1, _CH):
            v = e_v[r, pl.ds(c * _LANES, _LANES)]
            pacc = jnp.maximum(pacc, v)
            nacc = jnp.minimum(nacc, v)
        idx = lane16 + r
        plsc.store_scatter(tp_v, [idx], pacc)
        plsc.store_scatter(tn_v, [idx], nacc)
        return 0

    lax.fori_loop(0, _RPW, row_body, 0)
    pmax = tp_v[pl.ds(0, _LANES)]
    nmin = tn_v[pl.ds(0, _LANES)]
    for c in range(1, _LANES):
        pmax = jnp.maximum(pmax, tp_v[pl.ds(c * _LANES, _LANES)])
        nmin = jnp.minimum(nmin, tn_v[pl.ds(c * _LANES, _LANES)])
    hp_v[...] = pmax
    hn_v[...] = nmin
    pltpu.sync_copy(hp_v, hp_hbm.at[pl.ds(base, _RPW)])
    pltpu.sync_copy(hn_v, hn_hbm.at[pl.ds(base, _RPW)])


def _loss_body(hp_ref, hn_ref, out_ref):
    rawp = hp_ref[...]
    rawn = hn_ref[...]
    hp = jnp.where(rawp < 0.99, _NEG, jnp.sqrt(jnp.maximum(rawp - 1.0, 0.0)))
    d2n = -1.0 / jnp.minimum(rawn, -1e-30) - 1.0
    hn = jnp.where(rawn > 0.49, _POS, jnp.sqrt(jnp.maximum(d2n, 0.0)))
    diff = hp - hn
    sp = jnp.log1p(jnp.exp(-jnp.abs(diff))) + jnp.maximum(diff, 0.0)
    out_ref[...] = jnp.sum(sp, axis=1, keepdims=True)


def kernel(inputs, targets, W, b):
    t2 = targets.astype(jnp.int32).reshape(1, _B)
    b2 = b.reshape(1, _D_OUT)
    e = pl.pallas_call(
        _dist_body,
        out_shape=jax.ShapeDtypeStruct((_B, _B), jnp.float32),
    )(inputs, t2, W, b2)
    hp_raw, hn_raw = _mine(e)
    out = pl.pallas_call(
        _loss_body,
        out_shape=jax.ShapeDtypeStruct((1, 1), jnp.float32),
    )(hp_raw.reshape(1, _B), hn_raw.reshape(1, _B))
    return out[0, 0]

# --- scband reference (transcript-rebuilt; emitter-appended) ---
"""Pipeline reference for scband-fully-connected-with-triplet-loss-11914239279333 (READ-ONLY COPY).

The authoritative reference and input builder live on the scoring server;
editing this copy changes nothing except your own understanding.
"""

import jax, jax.numpy as jnp
import numpy as np

B = 512
D_IN = 1024
D_OUT = 128
N_CLASSES = 32


def setup_inputs(seed: int = 0) -> dict:
    key = jax.random.key(seed)
    k1, k2, k3 = jax.random.split(key, 3)
    inputs = jax.random.normal(k1, (B, D_IN), dtype=jnp.float32)
    targets = jax.random.randint(k2, (B,), 0, N_CLASSES)
    W = jax.random.normal(k3, (D_IN, D_OUT), dtype=jnp.float32) * 0.02
    b = jnp.zeros((D_OUT,), dtype=jnp.float32)
    return {"inputs": inputs, "targets": targets, "W": W, "b": b}


def reference(inputs, targets, W, b):
    eps = 1e-10
    # fully connected layer, linear activation
    h = jnp.matmul(inputs, W) + b  # [B, D_OUT]
    n = h.shape[0]
    # pairwise distances with the same eps treatment as the TF code:
    # d_ij = || |h_i - h_j| + eps ||_2
    diff = jnp.abs(h[:, None, :] - h[None, :, :]) + eps  # [B, B, D_OUT]
    dist = jnp.sqrt(jnp.sum(diff * diff, axis=-1))  # [B, B]
    same_class = targets[:, None] == targets[None, :]
    not_self = ~jnp.eye(n, dtype=bool)
    pos_mask = same_class & not_self
    neg_mask = ~same_class
    # batch-hard mining: hardest positive = max pos dist, hardest negative = min neg dist
    hardest_positive = jnp.max(jnp.where(pos_mask, dist, -1e30), axis=1)
    hardest_negative = jnp.min(jnp.where(neg_mask, dist, 1e30), axis=1)
    per_anchor_loss = jax.nn.softplus(hardest_positive - hardest_negative)
    loss = jnp.sum(per_anchor_loss)
    return loss

if __name__ == "__main__":
    import jax
    _d = setup_inputs()
    print(jax.jit(kernel)(*tuple(_d.values())))

</pallas_src>

<mosaic_0001>
#map = affine_map<(d0, d1) -> (0, 0)>
#map1 = affine_map<(d0, d1) -> (0)>
module attributes {stable_mosaic.version = 14 : i64} {
  func.func @_mine(%arg0: i32, %arg1: i32, %arg2: memref<512x512xf32, #tpu.memory_space<hbm>>, %arg3: memref<512xf32, #tpu.memory_space<hbm>>, %arg4: memref<512xf32, #tpu.memory_space<hbm>>, %arg5: memref<16x512xf32, #tpu.memory_space<vmem>>, %arg6: memref<256xf32, #tpu.memory_space<vmem>>, %arg7: memref<256xf32, #tpu.memory_space<vmem>>, %arg8: memref<16xf32, #tpu.memory_space<vmem>>, %arg9: memref<16xf32, #tpu.memory_space<vmem>>) attributes {dimension_semantics = [#tpu.dimension_semantics<core_parallel>, #tpu.dimension_semantics<subcore_parallel>], iteration_bounds = array<i64: 2, 16>, scalar_prefetch = 0 : i64, scratch_operands = 5 : i64, tpu.core_type = #tpu.core_type<sc_vector_subcore>, window_params = [{transform_indices = #map}, {transform_indices = #map1}, {transform_indices = #map1}]} {
    %mul3A = arith.constant 2 : i32
    %mul3A_0 = arith.muli %arg1, %mul3A : i32
    %add3A = arith.addi %mul3A_0, %arg0 : i32
    %mul3A_1 = arith.constant 16 : i32
    %mul3A_2 = arith.muli %add3A, %mul3A_1 : i32
    "tpu.region"() ({
      %run_scoped3A = tpu.sem_alloc : memref<!tpu.dma_semaphore, #tpu.memory_space<semaphore_mem>>
      %dma_start3A = arith.constant 0 : i32
      %dma_start3A_106 = tpu.memref_slice %arg2[%mul3A_2, %dma_start3A] : memref<512x512xf32, #tpu.memory_space<hbm>> -> memref<16x512xf32, #tpu.memory_space<hbm>>
      %dma_start3A_107 = arith.constant 0 : i32
      %dma_start3A_108 = tpu.memref_slice %arg2[%mul3A_2, %dma_start3A_107] : memref<512x512xf32, #tpu.memory_space<hbm>> -> memref<16x512xf32, #tpu.memory_space<hbm>>
      tpu.enqueue_dma source(%dma_start3A_108 : memref<16x512xf32, #tpu.memory_space<hbm>>) target(%arg5 : memref<16x512xf32, #tpu.memory_space<vmem>>) target_semaphore(%run_scoped3A : memref<!tpu.dma_semaphore, #tpu.memory_space<semaphore_mem>>)
      %dma_wait3A = arith.constant 0 : i32
      %dma_wait3A_109 = tpu.memref_slice %arg2[%mul3A_2, %dma_wait3A] : memref<512x512xf32, #tpu.memory_space<hbm>> -> memref<16x512xf32, #tpu.memory_space<hbm>>
      %dma_wait3A_110 = arith.constant 0 : i32
      %dma_wait3A_111 = tpu.memref_slice %arg2[%mul3A_2, %dma_wait3A_110] : memref<512x512xf32, #tpu.memory_space<hbm>> -> memref<16x512xf32, #tpu.memory_space<hbm>>
      tpu.wait_dma2 semaphore(%run_scoped3A : memref<!tpu.dma_semaphore, #tpu.memory_space<semaphore_mem>>) src(%dma_wait3A_111 : memref<16x512xf32, #tpu.memory_space<hbm>>) dst(%arg5 : memref<16x512xf32, #tpu.memory_space<vmem>>)
      tpu.yield
    }) : () -> ()
    %iota3A = tpu.iota {dimensions = array<i32: 0>} : vector<16xi32>
    %mul3A_3 = arith.constant 16 : i32
    %mul3A_4 = vector.broadcast %mul3A_3 : i32 to vector<16xi32>
    %mul3A_5 = arith.muli %iota3A, %mul3A_4 : vector<16xi32>
    %scan3A = arith.constant 0 : i32
    %scan3A_6 = arith.constant 0 : i32
    %scan3A_7 = arith.constant 16 : i32
    %scan3A_8 = arith.addi %scan3A_6, %scan3A_7 : i32
    %scan3A_9 = arith.constant 1 : i32
    %scan3A_10 = scf.for %scan3A_106 = %scan3A_6 to %scan3A_8 step %scan3A_9 iter_args(%scan3A_107 = %scan3A) -> (i32)  : i32 {
      %get3A_108 = arith.index_cast %scan3A_106 : i32 to index
      %get3A_109 = arith.constant 0 : index
      %get3A_110 = tpu.vector_load %arg5[%get3A_108, %get3A_109] {strides = array<i32>} : memref<16x512xf32, #tpu.memory_space<vmem>>, vector<16xf32>,
      %get3A_111 = arith.index_cast %scan3A_106 : i32 to index
      %get3A_112 = arith.constant 16 : index
      %get3A_113 = tpu.vector_load %arg5[%get3A_111, %get3A_112] {strides = array<i32>} : memref<16x512xf32, #tpu.memory_space<vmem>>, vector<16xf32>,
      %max3A_114 = arith.maximumf %get3A_110, %get3A_113 : vector<16xf32>
      %min3A_115 = arith.minimumf %get3A_110, %get3A_113 : vector<16xf32>
      %get3A_116 = arith.index_cast %scan3A_106 : i32 to index
      %get3A_117 = arith.constant 32 : index
      %get3A_118 = tpu.vector_load %arg5[%get3A_116, %get3A_117] {strides = array<i32>} : memref<16x512xf32, #tpu.memory_space<vmem>>, vector<16xf32>,
      %max3A_119 = arith.maximumf %max3A_114, %get3A_118 : vector<16xf32>
      %min3A_120 = arith.minimumf %min3A_115, %get3A_118 : vector<16xf32>
      %get3A_121 = arith.index_cast %scan3A_106 : i32 to index
      %get3A_122 = arith.constant 48 : index
      %get3A_123 = tpu.vector_load %arg5[%get3A_121, %get3A_122] {strides = array<i32>} : memref<16x512xf32, #tpu.memory_space<vmem>>, vector<16xf32>,
      %max3A_124 = arith.maximumf %max3A_119, %get3A_123 : vector<16xf32>
      %min3A_125 = arith.minimumf %min3A_120, %get3A_123 : vector<16xf32>
      %get3A_126 = arith.index_cast %scan3A_106 : i32 to index
      %get3A_127 = arith.constant 64 : index
      %get3A_128 = tpu.vector_load %arg5[%get3A_126, %get3A_127] {strides = array<i32>} : memref<16x512xf32, #tpu.memory_space<vmem>>, vector<16xf32>,
      %max3A_129 = arith.maximumf %max3A_124, %get3A_128 : vector<16xf32>
      %min3A_130 = arith.minimumf %min3A_125, %get3A_128 : vector<16xf32>
      %get3A_131 = arith.index_cast %scan3A_106 : i32 to index
      %get3A_132 = arith.constant 80 : index
      %get3A_133 = tpu.vector_load %arg5[%get3A_131, %get3A_132] {strides = array<i32>} : memref<16x512xf32, #tpu.memory_space<vmem>>, vector<16xf32>,
      %max3A_134 = arith.maximumf %max3A_129, %get3A_133 : vector<16xf32>
      %min3A_135 = arith.minimumf %min3A_130, %get3A_133 : vector<16xf32>
      %get3A_136 = arith.index_cast %scan3A_106 : i32 to index
      %get3A_137 = arith.constant 96 : index
      %get3A_138 = tpu.vector_load %arg5[%get3A_136, %get3A_137] {strides = array<i32>} : memref<16x512xf32, #tpu.memory_space<vmem>>, vector<16xf32>,
      %max3A_139 = arith.maximumf %max3A_134, %get3A_138 : vector<16xf32>
      %min3A_140 = arith.minimumf %min3A_135, %get3A_138 : vector<16xf32>
      %get3A_141 = arith.index_cast %scan3A_106 : i32 to index
      %get3A_142 = arith.constant 112 : index
      %get3A_143 = tpu.vector_load %arg5[%get3A_141, %get3A_142] {strides = array<i32>} : memref<16x512xf32, #tpu.memory_space<vmem>>, vector<16xf32>,
      %max3A_144 = arith.maximumf %max3A_139, %get3A_143 : vector<16xf32>
      %min3A_145 = arith.minimumf %min3A_140, %get3A_143 : vector<16xf32>
      %get3A_146 = arith.index_cast %scan3A_106 : i32 to index
      %get3A_147 = arith.constant 128 : index
      %get3A_148 = tpu.vector_load %arg5[%get3A_146, %get3A_147] {strides = array<i32>} : memref<16x512xf32, #tpu.memory_space<vmem>>, vector<16xf32>,
      %max3A_149 = arith.maximumf %max3A_144, %get3A_148 : vector<16xf32>
      %min3A_150 = arith.minimumf %min3A_145, %get3A_148 : vector<16xf32>
      %get3A_151 = arith.index_cast %scan3A_106 : i32 to index
      %get3A_152 = arith.constant 144 : index
      %get3A_153 = tpu.vector_load %arg5[%get3A_151, %get3A_152] {strides = array<i32>} : memref<16x512xf32, #tpu.memory_space<vmem>>, vector<16xf32>,
      %max3A_154 = arith.maximumf %max3A_149, %get3A_153 : vector<16xf32>
      %min3A_155 = arith.minimumf %min3A_150, %get3A_153 : vector<16xf32>
      %get3A_156 = arith.index_cast %scan3A_106 : i32 to index
      %get3A_157 = arith.constant 160 : index
      %get3A_158 = tpu.vector_load %arg5[%get3A_156, %get3A_157] {strides = array<i32>} : memref<16x512xf32, #tpu.memory_space<vmem>>, vector<16xf32>,
      %max3A_159 = arith.maximumf %max3A_154, %get3A_158 : vector<16xf32>
      %min3A_160 = arith.minimumf %min3A_155, %get3A_158 : vector<16xf32>
      %get3A_161 = arith.index_cast %scan3A_106 : i32 to index
      %get3A_162 = arith.constant 176 : index
      %get3A_163 = tpu.vector_load %arg5[%get3A_161, %get3A_162] {strides = array<i32>} : memref<16x512xf32, #tpu.memory_space<vmem>>, vector<16xf32>,
      %max3A_164 = arith.maximumf %max3A_159, %get3A_163 : vector<16xf32>
      %min3A_165 = arith.minimumf %min3A_160, %get3A_163 : vector<16xf32>
      %get3A_166 = arith.index_cast %scan3A_106 : i32 to index
      %get3A_167 = arith.constant 192 : index
      %get3A_168 = tpu.vector_load %arg5[%get3A_166, %get3A_167] {strides = array<i32>} : memref<16x512xf32, #tpu.memory_space<vmem>>, vector<16xf32>,
      %max3A_169 = arith.maximumf %max3A_164, %get3A_168 : vector<16xf32>
      %min3A_170 = arith.minimumf %min3A_165, %get3A_168 : vector<16xf32>
      %get3A_171 = arith.index_cast %scan3A_106 : i32 to index
      %get3A_172 = arith.constant 208 : index
      %get3A_173 = tpu.vector_load %arg5[%get3A_171, %get3A_172] {strides = array<i32>} : memref<16x512xf32, #tpu.memory_space<vmem>>, vector<16xf32>,
      %max3A_174 = arith.maximumf %max3A_169, %get3A_173 : vector<16xf32>
      %min3A_175 = arith.minimumf %min3A_170, %get3A_173 : vector<16xf32>
      %get3A_176 = arith.index_cast %scan3A_106 : i32 to index
      %get3A_177 = arith.constant 224 : index
      %get3A_178 = tpu.vector_load %arg5[%get3A_176, %get3A_177] {strides = array<i32>} : memref<16x512xf32, #tpu.memory_space<vmem>>, vector<16xf32>,
      %max3A_179 = arith.maximumf %max3A_174, %get3A_178 : vector<16xf32>
      %min3A_180 = arith.minimumf %min3A_175, %get3A_178 : vector<16xf32>
      %get3A_181 = arith.index_cast %scan3A_106 : i32 to index
      %get3A_182 = arith.constant 240 : index
      %get3A_183 = tpu.vector_load %arg5[%get3A_181, %get3A_182] {strides = array<i32>} : memref<16x512xf32, #tpu.memory_space<vmem>>, vector<16xf32>,
      %max3A_184 = arith.maximumf %max3A_179, %get3A_183 : vector<16xf32>
      %min3A_185 = arith.minimumf %min3A_180, %get3A_183 : vector<16xf32>
      %get3A_186 = arith.index_cast %scan3A_106 : i32 to index
      %get3A_187 = arith.constant 256 : index
      %get3A_188 = tpu.vector_load %arg5[%get3A_186, %get3A_187] {strides = array<i32>} : memref<16x512xf32, #tpu.memory_space<vmem>>, vector<16xf32>,
      %max3A_189 = arith.maximumf %max3A_184, %get3A_188 : vector<16xf32>
      %min3A_190 = arith.minimumf %min3A_185, %get3A_188 : vector<16xf32>
      %get3A_191 = arith.index_cast %scan3A_106 : i32 to index
      %get3A_192 = arith.constant 272 : index
      %get3A_193 = tpu.vector_load %arg5[%get3A_191, %get3A_192] {strides = array<i32>} : memref<16x512xf32, #tpu.memory_space<vmem>>, vector<16xf32>,
      %max3A_194 = arith.maximumf %max3A_189, %get3A_193 : vector<16xf32>
      %min3A_195 = arith.minimumf %min3A_190, %get3A_193 : vector<16xf32>
      %get3A_196 = arith.index_cast %scan3A_106 : i32 to index
      %get3A_197 = arith.constant 288 : index
      %get3A_198 = tpu.vector_load %arg5[%get3A_196, %get3A_197] {strides = array<i32>} : memref<16x512xf32, #tpu.memory_space<vmem>>, vector<16xf32>,
      %max3A_199 = arith.maximumf %max3A_194, %get3A_198 : vector<16xf32>
      %min3A_200 = arith.minimumf %min3A_195, %get3A_198 : vector<16xf32>
      %get3A_201 = arith.index_cast %scan3A_106 : i32 to index
      %get3A_202 = arith.constant 304 : index
      %get3A_203 = tpu.vector_load %arg5[%get3A_201, %get3A_202] {strides = array<i32>} : memref<16x512xf32, #tpu.memory_space<vmem>>, vector<16xf32>,
      %max3A_204 = arith.maximumf %max3A_199, %get3A_203 : vector<16xf32>
      %min3A_205 = arith.minimumf %min3A_200, %get3A_203 : vector<16xf32>
      %get3A_206 = arith.index_cast %scan3A_106 : i32 to index
      %get3A_207 = arith.constant 320 : index
      %get3A_208 = tpu.vector_load %arg5[%get3A_206, %get3A_207] {strides = array<i32>} : memref<16x512xf32, #tpu.memory_space<vmem>>, vector<16xf32>,
      %max3A_209 = arith.maximumf %max3A_204, %get3A_208 : vector<16xf32>
      %min3A_210 = arith.minimumf %min3A_205, %get3A_208 : vector<16xf32>
      %get3A_211 = arith.index_cast %scan3A_106 : i32 to index
      %get3A_212 = arith.constant 336 : index
      %get3A_213 = tpu.vector_load %arg5[%get3A_211, %get3A_212] {strides = array<i32>} : memref<16x512xf32, #tpu.memory_space<vmem>>, vector<16xf32>,
      %max3A_214 = arith.maximumf %max3A_209, %get3A_213 : vector<16xf32>
      %min3A_215 = arith.minimumf %min3A_210, %get3A_213 : vector<16xf32>
      %get3A_216 = arith.index_cast %scan3A_106 : i32 to index
      %get3A_217 = arith.constant 352 : index
      %get3A_218 = tpu.vector_load %arg5[%get3A_216, %get3A_217] {strides = array<i32>} : memref<16x512xf32, #tpu.memory_space<vmem>>, vector<16xf32>,
      %max3A_219 = arith.maximumf %max3A_214, %get3A_218 : vector<16xf32>
      %min3A_220 = arith.minimumf %min3A_215, %get3A_218 : vector<16xf32>
      %get3A_221 = arith.index_cast %scan3A_106 : i32 to index
      %get3A_222 = arith.constant 368 : index
      %get3A_223 = tpu.vector_load %arg5[%get3A_221, %get3A_222] {strides = array<i32>} : memref<16x512xf32, #tpu.memory_space<vmem>>, vector<16xf32>,
      %max3A_224 = arith.maximumf %max3A_219, %get3A_223 : vector<16xf32>
      %min3A_225 = arith.minimumf %min3A_220, %get3A_223 : vector<16xf32>
      %get3A_226 = arith.index_cast %scan3A_106 : i32 to index
      %get3A_227 = arith.constant 384 : index
      %get3A_228 = tpu.vector_load %arg5[%get3A_226, %get3A_227] {strides = array<i32>} : memref<16x512xf32, #tpu.memory_space<vmem>>, vector<16xf32>,
      %max3A_229 = arith.maximumf %max3A_224, %get3A_228 : vector<16xf32>
      %min3A_230 = arith.minimumf %min3A_225, %get3A_228 : vector<16xf32>
      %get3A_231 = arith.index_cast %scan3A_106 : i32 to index
      %get3A_232 = arith.constant 400 : index
      %get3A_233 = tpu.vector_load %arg5[%get3A_231, %get3A_232] {strides = array<i32>} : memref<16x512xf32, #tpu.memory_space<vmem>>, vector<16xf32>,
      %max3A_234 = arith.maximumf %max3A_229, %get3A_233 : vector<16xf32>
      %min3A_235 = arith.minimumf %min3A_230, %get3A_233 : vector<16xf32>
      %get3A_236 = arith.index_cast %scan3A_106 : i32 to index
      %get3A_237 = arith.constant 416 : index
      %get3A_238 = tpu.vector_load %arg5[%get3A_236, %get3A_237] {strides = array<i32>} : memref<16x512xf32, #tpu.memory_space<vmem>>, vector<16xf32>,
      %max3A_239 = arith.maximumf %max3A_234, %get3A_238 : vector<16xf32>
      %min3A_240 = arith.minimumf %min3A_235, %get3A_238 : vector<16xf32>
      %get3A_241 = arith.index_cast %scan3A_106 : i32 to index
      %get3A_242 = arith.constant 432 : index
      %get3A_243 = tpu.vector_load %arg5[%get3A_241, %get3A_242] {strides = array<i32>} : memref<16x512xf32, #tpu.memory_space<vmem>>, vector<16xf32>,
      %max3A_244 = arith.maximumf %max3A_239, %get3A_243 : vector<16xf32>
      %min3A_245 = arith.minimumf %min3A_240, %get3A_243 : vector<16xf32>
      %get3A_246 = arith.index_cast %scan3A_106 : i32 to index
      %get3A_247 = arith.constant 448 : index
      %get3A_248 = tpu.vector_load %arg5[%get3A_246, %get3A_247] {strides = array<i32>} : memref<16x512xf32, #tpu.memory_space<vmem>>, vector<16xf32>,
      %max3A_249 = arith.maximumf %max3A_244, %get3A_248 : vector<16xf32>
      %min3A_250 = arith.minimumf %min3A_245, %get3A_248 : vector<16xf32>
      %get3A_251 = arith.index_cast %scan3A_106 : i32 to index
      %get3A_252 = arith.constant 464 : index
      %get3A_253 = tpu.vector_load %arg5[%get3A_251, %get3A_252] {strides = array<i32>} : memref<16x512xf32, #tpu.memory_space<vmem>>, vector<16xf32>,
      %max3A_254 = arith.maximumf %max3A_249, %get3A_253 : vector<16xf32>
      %min3A_255 = arith.minimumf %min3A_250, %get3A_253 : vector<16xf32>
      %get3A_256 = arith.index_cast %scan3A_106 : i32 to index
      %get3A_257 = arith.constant 480 : index
      %get3A_258 = tpu.vector_load %arg5[%get3A_256, %get3A_257] {strides = array<i32>} : memref<16x512xf32, #tpu.memory_space<vmem>>, vector<16xf32>,
      %max3A_259 = arith.maximumf %max3A_254, %get3A_258 : vector<16xf32>
      %min3A_260 = arith.minimumf %min3A_255, %get3A_258 : vector<16xf32>
      %get3A_261 = arith.index_cast %scan3A_106 : i32 to index
      %get3A_262 = arith.constant 496 : index
      %get3A_263 = tpu.vector_load %arg5[%get3A_261, %get3A_262] {strides = array<i32>} : memref<16x512xf32, #tpu.memory_space<vmem>>, vector<16xf32>,
      %max3A_264 = arith.maximumf %max3A_259, %get3A_263 : vector<16xf32>
      %min3A_265 = arith.minimumf %min3A_260, %get3A_263 : vector<16xf32>
      %add3A_266 = vector.broadcast %scan3A_106 : i32 to vector<16xi32>
      %add3A_267 = arith.addi %mul3A_5, %add3A_266 : vector<16xi32>
      tpu.vector_store_idx %arg6[%add3A_267], %max3A_264 : memref<256xf32, #tpu.memory_space<vmem>>[vector<16xi32>], vector<16xf32>,
      tpu.vector_store_idx %arg7[%add3A_267], %min3A_265 : memref<256xf32, #tpu.memory_space<vmem>>[vector<16xi32>], vector<16xf32>,
      %scan3A_268 = arith.constant 0 : i32
      scf.yield %scan3A_268 : i32
    }
    %scan3A_11 = arith.constant 16 : i32
    %get3A = arith.constant 0 : index
    %get3A_12 = tpu.vector_load %arg6[%get3A] {strides = array<i32>} : memref<256xf32, #tpu.memory_space<vmem>>, vector<16xf32>,
    %get3A_13 = arith.constant 0 : index
    %get3A_14 = tpu.vector_load %arg7[%get3A_13] {strides = array<i32>} : memref<256xf32, #tpu.memory_space<vmem>>, vector<16xf32>,
    %get3A_15 = arith.constant 16 : index
    %get3A_16 = tpu.vector_load %arg6[%get3A_15] {strides = array<i32>} : memref<256xf32, #tpu.memory_space<vmem>>, vector<16xf32>,
    %max3A = arith.maximumf %get3A_12, %get3A_16 : vector<16xf32>
    %get3A_17 = arith.constant 16 : index
    %get3A_18 = tpu.vector_load %arg7[%get3A_17] {strides = array<i32>} : memref<256xf32, #tpu.memory_space<vmem>>, vector<16xf32>,
    %min3A = arith.minimumf %get3A_14, %get3A_18 : vector<16xf32>
    %get3A_19 = arith.constant 32 : index
    %get3A_20 = tpu.vector_load %arg6[%get3A_19] {strides = array<i32>} : memref<256xf32, #tpu.memory_space<vmem>>, vector<16xf32>,
    %max3A_21 = arith.maximumf %max3A, %get3A_20 : vector<16xf32>
    %get3A_22 = arith.constant 32 : index
    %get3A_23 = tpu.vector_load %arg7[%get3A_22] {strides = array<i32>} : memref<256xf32, #tpu.memory_space<vmem>>, vector<16xf32>,
    %min3A_24 = arith.minimumf %min3A, %get3A_23 : vector<16xf32>
    %get3A_25 = arith.constant 48 : index
    %get3A_26 = tpu.vector_load %arg6[%get3A_25] {strides = array<i32>} : memref<256xf32, #tpu.memory_space<vmem>>, vector<16xf32>,
    %max3A_27 = arith.maximumf %max3A_21, %get3A_26 : vector<16xf32>
    %get3A_28 = arith.constant 48 : index
    %get3A_29 = tpu.vector_load %arg7[%get3A_28] {strides = array<i32>} : memref<256xf32, #tpu.memory_space<vmem>>, vector<16xf32>,
    %min3A_30 = arith.minimumf %min3A_24, %get3A_29 : vector<16xf32>
    %get3A_31 = arith.constant 64 : index
    %get3A_32 = tpu.vector_load %arg6[%get3A_31] {strides = array<i32>} : memref<256xf32, #tpu.memory_space<vmem>>, vector<16xf32>,
    %max3A_33 = arith.maximumf %max3A_27, %get3A_32 : vector<16xf32>
    %get3A_34 = arith.constant 64 : index
    %get3A_35 = tpu.vector_load %arg7[%get3A_34] {strides = array<i32>} : memref<256xf32, #tpu.memory_space<vmem>>, vector<16xf32>,
    %min3A_36 = arith.minimumf %min3A_30, %get3A_35 : vector<16xf32>
    %get3A_37 = arith.constant 80 : index
    %get3A_38 = tpu.vector_load %arg6[%get3A_37] {strides = array<i32>} : memref<256xf32, #tpu.memory_space<vmem>>, vector<16xf32>,
    %max3A_39 = arith.maximumf %max3A_33, %get3A_38 : vector<16xf32>
    %get3A_40 = arith.constant 80 : index
    %get3A_41 = tpu.vector_load %arg7[%get3A_40] {strides = array<i32>} : memref<256xf32, #tpu.memory_space<vmem>>, vector<16xf32>,
    %min3A_42 = arith.minimumf %min3A_36, %get3A_41 : vector<16xf32>
    %get3A_43 = arith.constant 96 : index
    %get3A_44 = tpu.vector_load %arg6[%get3A_43] {strides = array<i32>} : memref<256xf32, #tpu.memory_space<vmem>>, vector<16xf32>,
    %max3A_45 = arith.maximumf %max3A_39, %get3A_44 : vector<16xf32>
    %get3A_46 = arith.constant 96 : index
    %get3A_47 = tpu.vector_load %arg7[%get3A_46] {strides = array<i32>} : memref<256xf32, #tpu.memory_space<vmem>>, vector<16xf32>,
    %min3A_48 = arith.minimumf %min3A_42, %get3A_47 : vector<16xf32>
    %get3A_49 = arith.constant 112 : index
    %get3A_50 = tpu.vector_load %arg6[%get3A_49] {strides = array<i32>} : memref<256xf32, #tpu.memory_space<vmem>>, vector<16xf32>,
    %max3A_51 = arith.maximumf %max3A_45, %get3A_50 : vector<16xf32>
    %get3A_52 = arith.constant 112 : index
    %get3A_53 = tpu.vector_load %arg7[%get3A_52] {strides = array<i32>} : memref<256xf32, #tpu.memory_space<vmem>>, vector<16xf32>,
    %min3A_54 = arith.minimumf %min3A_48, %get3A_53 : vector<16xf32>
    %get3A_55 = arith.constant 128 : index
    %get3A_56 = tpu.vector_load %arg6[%get3A_55] {strides = array<i32>} : memref<256xf32, #tpu.memory_space<vmem>>, vector<16xf32>,
    %max3A_57 = arith.maximumf %max3A_51, %get3A_56 : vector<16xf32>
    %get3A_58 = arith.constant 128 : index
    %get3A_59 = tpu.vector_load %arg7[%get3A_58] {strides = array<i32>} : memref<256xf32, #tpu.memory_space<vmem>>, vector<16xf32>,
    %min3A_60 = arith.minimumf %min3A_54, %get3A_59 : vector<16xf32>
    %get3A_61 = arith.constant 144 : index
    %get3A_62 = tpu.vector_load %arg6[%get3A_61] {strides = array<i32>} : memref<256xf32, #tpu.memory_space<vmem>>, vector<16xf32>,
    %max3A_63 = arith.maximumf %max3A_57, %get3A_62 : vector<16xf32>
    %get3A_64 = arith.constant 144 : index
    %get3A_65 = tpu.vector_load %arg7[%get3A_64] {strides = array<i32>} : memref<256xf32, #tpu.memory_space<vmem>>, vector<16xf32>,
    %min3A_66 = arith.minimumf %min3A_60, %get3A_65 : vector<16xf32>
    %get3A_67 = arith.constant 160 : index
    %get3A_68 = tpu.vector_load %arg6[%get3A_67] {strides = array<i32>} : memref<256xf32, #tpu.memory_space<vmem>>, vector<16xf32>,
    %max3A_69 = arith.maximumf %max3A_63, %get3A_68 : vector<16xf32>
    %get3A_70 = arith.constant 160 : index
    %get3A_71 = tpu.vector_load %arg7[%get3A_70] {strides = array<i32>} : memref<256xf32, #tpu.memory_space<vmem>>, vector<16xf32>,
    %min3A_72 = arith.minimumf %min3A_66, %get3A_71 : vector<16xf32>
    %get3A_73 = arith.constant 176 : index
    %get3A_74 = tpu.vector_load %arg6[%get3A_73] {strides = array<i32>} : memref<256xf32, #tpu.memory_space<vmem>>, vector<16xf32>,
    %max3A_75 = arith.maximumf %max3A_69, %get3A_74 : vector<16xf32>
    %get3A_76 = arith.constant 176 : index
    %get3A_77 = tpu.vector_load %arg7[%get3A_76] {strides = array<i32>} : memref<256xf32, #tpu.memory_space<vmem>>, vector<16xf32>,
    %min3A_78 = arith.minimumf %min3A_72, %get3A_77 : vector<16xf32>
    %get3A_79 = arith.constant 192 : index
    %get3A_80 = tpu.vector_load %arg6[%get3A_79] {strides = array<i32>} : memref<256xf32, #tpu.memory_space<vmem>>, vector<16xf32>,
    %max3A_81 = arith.maximumf %max3A_75, %get3A_80 : vector<16xf32>
    %get3A_82 = arith.constant 192 : index
    %get3A_83 = tpu.vector_load %arg7[%get3A_82] {strides = array<i32>} : memref<256xf32, #tpu.memory_space<vmem>>, vector<16xf32>,
    %min3A_84 = arith.minimumf %min3A_78, %get3A_83 : vector<16xf32>
    %get3A_85 = arith.constant 208 : index
    %get3A_86 = tpu.vector_load %arg6[%get3A_85] {strides = array<i32>} : memref<256xf32, #tpu.memory_space<vmem>>, vector<16xf32>,
    %max3A_87 = arith.maximumf %max3A_81, %get3A_86 : vector<16xf32>
    %get3A_88 = arith.constant 208 : index
    %get3A_89 = tpu.vector_load %arg7[%get3A_88] {strides = array<i32>} : memref<256xf32, #tpu.memory_space<vmem>>, vector<16xf32>,
    %min3A_90 = arith.minimumf %min3A_84, %get3A_89 : vector<16xf32>
    %get3A_91 = arith.constant 224 : index
    %get3A_92 = tpu.vector_load %arg6[%get3A_91] {strides = array<i32>} : memref<256xf32, #tpu.memory_space<vmem>>, vector<16xf32>,
    %max3A_93 = arith.maximumf %max3A_87, %get3A_92 : vector<16xf32>
    %get3A_94 = arith.constant 224 : index
    %get3A_95 = tpu.vector_load %arg7[%get3A_94] {strides = array<i32>} : memref<256xf32, #tpu.memory_space<vmem>>, vector<16xf32>,
    %min3A_96 = arith.minimumf %min3A_90, %get3A_95 : vector<16xf32>
    %get3A_97 = arith.constant 240 : index
    %get3A_98 = tpu.vector_load %arg6[%get3A_97] {strides = array<i32>} : memref<256xf32, #tpu.memory_space<vmem>>, vector<16xf32>,
    %max3A_99 = arith.maximumf %max3A_93, %get3A_98 : vector<16xf32>
    %get3A_100 = arith.constant 240 : index
    %get3A_101 = tpu.vector_load %arg7[%get3A_100] {strides = array<i32>} : memref<256xf32, #tpu.memory_space<vmem>>, vector<16xf32>,
    %min3A_102 = arith.minimumf %min3A_96, %get3A_101 : vector<16xf32>
    %swap3A = arith.constant 0 : index
    %swap3A_103 = tpu.vector_load %arg8[%swap3A] {strides = array<i32>} : memref<16xf32, #tpu.memory_space<vmem>>, vector<16xf32>,
    tpu.vector_store %arg8[%swap3A], %max3A_99 {strides = array<i32>} : memref<16xf32, #tpu.memory_space<vmem>>, vector<16xf32>,
    %swap3A_104 = arith.constant 0 : index
    %swap3A_105 = tpu.vector_load %arg9[%swap3A_104] {strides = array<i32>} : memref<16xf32, #tpu.memory_space<vmem>>, vector<16xf32>,
    tpu.vector_store %arg9[%swap3A_104], %min3A_102 {strides = array<i32>} : memref<16xf32, #tpu.memory_space<vmem>>, vector<16xf32>,
    "tpu.region"() ({
      %run_scoped3A = tpu.sem_alloc : memref<!tpu.dma_semaphore, #tpu.memory_space<semaphore_mem>>
      %dma_start3A = tpu.memref_slice %arg3[%mul3A_2] : memref<512xf32, #tpu.memory_space<hbm>> -> memref<16xf32, #tpu.memory_space<hbm>>
      %dma_start3A_106 = tpu.memref_slice %arg3[%mul3A_2] : memref<512xf32, #tpu.memory_space<hbm>> -> memref<16xf32, #tpu.memory_space<hbm>>
      tpu.enqueue_dma source(%arg8 : memref<16xf32, #tpu.memory_space<vmem>>) target(%dma_start3A_106 : memref<16xf32, #tpu.memory_space<hbm>>) target_semaphore(%run_scoped3A : memref<!tpu.dma_semaphore, #tpu.memory_space<semaphore_mem>>)
      %dma_wait3A = tpu.memref_slice %arg3[%mul3A_2] : memref<512xf32, #tpu.memory_space<hbm>> -> memref<16xf32, #tpu.memory_space<hbm>>
      %dma_wait3A_107 = tpu.memref_slice %arg3[%mul3A_2] : memref<512xf32, #tpu.memory_space<hbm>> -> memref<16xf32, #tpu.memory_space<hbm>>
      tpu.wait_dma2 semaphore(%run_scoped3A : memref<!tpu.dma_semaphore, #tpu.memory_space<semaphore_mem>>) src(%arg8 : memref<16xf32, #tpu.memory_space<vmem>>) dst(%dma_wait3A_107 : memref<16xf32, #tpu.memory_space<hbm>>)
      tpu.yield
    }) : () -> ()
    "tpu.region"() ({
      %run_scoped3A = tpu.sem_alloc : memref<!tpu.dma_semaphore, #tpu.memory_space<semaphore_mem>>
      %dma_start3A = tpu.memref_slice %arg4[%mul3A_2] : memref<512xf32, #tpu.memory_space<hbm>> -> memref<16xf32, #tpu.memory_space<hbm>>
      %dma_start3A_106 = tpu.memref_slice %arg4[%mul3A_2] : memref<512xf32, #tpu.memory_space<hbm>> -> memref<16xf32, #tpu.memory_space<hbm>>
      tpu.enqueue_dma source(%arg9 : memref<16xf32, #tpu.memory_space<vmem>>) target(%dma_start3A_106 : memref<16xf32, #tpu.memory_space<hbm>>) target_semaphore(%run_scoped3A : memref<!tpu.dma_semaphore, #tpu.memory_space<semaphore_mem>>)
      %dma_wait3A = tpu.memref_slice %arg4[%mul3A_2] : memref<512xf32, #tpu.memory_space<hbm>> -> memref<16xf32, #tpu.memory_space<hbm>>
      %dma_wait3A_107 = tpu.memref_slice %arg4[%mul3A_2] : memref<512xf32, #tpu.memory_space<hbm>> -> memref<16xf32, #tpu.memory_space<hbm>>
      tpu.wait_dma2 semaphore(%run_scoped3A : memref<!tpu.dma_semaphore, #tpu.memory_space<semaphore_mem>>) src(%arg9 : memref<16xf32, #tpu.memory_space<vmem>>) dst(%dma_wait3A_107 : memref<16xf32, #tpu.memory_space<hbm>>)
      tpu.yield
    }) : () -> ()
    return
  }
}

module attributes {stable_mosaic.version = 14 : i64} {
  func.func @_loss_body(%arg0: memref<1x512xf32, #tpu.memory_space<vmem>>, %arg1: memref<1x512xf32, #tpu.memory_space<vmem>>, %arg2: memref<1x1xf32, #tpu.memory_space<vmem>>) attributes {dimension_semantics = [], scalar_prefetch = 0 : i64, scratch_operands = 0 : i64, tpu.core_type = #tpu.core_type<tc>} {
    %get3A = arith.constant 0 : index
    %get3A_0 = arith.constant 0 : index
    %get3A_1 = vector.load %arg0[%get3A, %get3A_0] : memref<1x512xf32, #tpu.memory_space<vmem>>, vector<1x512xf32>
    %get3A_2 = arith.constant 0 : index
    %get3A_3 = arith.constant 0 : index
    %get3A_4 = vector.load %arg1[%get3A_2, %get3A_3] : memref<1x512xf32, #tpu.memory_space<vmem>>, vector<1x512xf32>
    %lt3A = arith.constant 9.900000e-01 : f32
    %lt3A_5 = vector.broadcast %lt3A : f32 to vector<1x512xf32>
    %lt3A_6 = arith.cmpf olt, %get3A_1, %lt3A_5 : vector<1x512xf32>
    %sub3A = arith.constant 1.000000e+00 : f32
    %sub3A_7 = vector.broadcast %sub3A : f32 to vector<1x512xf32>
    %sub3A_8 = arith.subf %get3A_1, %sub3A_7 : vector<1x512xf32>
    %max3A = arith.constant 0.000000e+00 : f32
    %max3A_9 = vector.broadcast %max3A : f32 to vector<1x512xf32>
    %max3A_10 = arith.maximumf %sub3A_8, %max3A_9 : vector<1x512xf32>
    %sqrt3A = math.sqrt %max3A_10 : vector<1x512xf32>
    %jit3A = arith.constant -1.000000e+30 : f32
    %broadcast_in_dim3A = vector.broadcast %jit3A : f32 to vector<1x512xf32>
    %select_n3A = arith.select %lt3A_6, %broadcast_in_dim3A, %sqrt3A : vector<1x512xi1>, vector<1x512xf32>
    %min3A = arith.constant -1.000000e-30 : f32
    %min3A_11 = vector.broadcast %min3A : f32 to vector<1x512xf32>
    %min3A_12 = arith.minimumf %get3A_4, %min3A_11 : vector<1x512xf32>
    %div3A = arith.constant -1.000000e+00 : f32
    %div3A_13 = vector.broadcast %div3A : f32 to vector<1x512xf32>
    %div3A_14 = arith.divf %div3A_13, %min3A_12 : vector<1x512xf32>
    %sub3A_15 = arith.constant 1.000000e+00 : f32
    %sub3A_16 = vector.broadcast %sub3A_15 : f32 to vector<1x512xf32>
    %sub3A_17 = arith.subf %div3A_14, %sub3A_16 : vector<1x512xf32>
    %gt3A = arith.constant 4.900000e-01 : f32
    %gt3A_18 = vector.broadcast %gt3A : f32 to vector<1x512xf32>
    %gt3A_19 = arith.cmpf ogt, %get3A_4, %gt3A_18 : vector<1x512xf32>
    %max3A_20 = arith.constant 0.000000e+00 : f32
    %max3A_21 = vector.broadcast %max3A_20 : f32 to vector<1x512xf32>
    %max3A_22 = arith.maximumf %sub3A_17, %max3A_21 : vector<1x512xf32>
    %sqrt3A_23 = math.sqrt %max3A_22 : vector<1x512xf32>
    %jit3A_24 = arith.constant 1.000000e+30 : f32
    %broadcast_in_dim3A_25 = vector.broadcast %jit3A_24 : f32 to vector<1x512xf32>
    %select_n3A_26 = arith.select %gt3A_19, %broadcast_in_dim3A_25, %sqrt3A_23 : vector<1x512xi1>, vector<1x512xf32>
    %sub3A_27 = arith.subf %select_n3A, %select_n3A_26 : vector<1x512xf32>
    %abs3A = math.absf %sub3A_27 : vector<1x512xf32>
    %neg3A = arith.constant 0.000000e+00 : f32
    %neg3A_28 = vector.broadcast %neg3A : f32 to vector<1x512xf32>
    %neg3A_29 = arith.subf %neg3A_28, %abs3A : vector<1x512xf32>
    %exp3A = math.exp %neg3A_29 : vector<1x512xf32>
    %log1p3A = math.log1p %exp3A : vector<1x512xf32>
    %max3A_30 = arith.constant 0.000000e+00 : f32
    %max3A_31 = vector.broadcast %max3A_30 : f32 to vector<1x512xf32>
    %max3A_32 = arith.maximumf %sub3A_27, %max3A_31 : vector<1x512xf32>
    %add3A = arith.addf %log1p3A, %max3A_32 : vector<1x512xf32>
    %reduce_sum3A = arith.constant dense<0.000000e+00> : vector<1xf32>
    %reduce_sum3A_33 = vector.multi_reduction <add>, %add3A, %reduce_sum3A [1] : vector<1x512xf32> to vector<1xf32>
    %broadcast_in_dim3A_34 = vector.shape_cast %reduce_sum3A_33 : vector<1xf32> to vector<1x1xf32>
    %swap3A = arith.constant 0 : index
    %swap3A_35 = arith.constant 0 : index
    %swap3A_36 = vector.load %arg2[%swap3A, %swap3A_35] : memref<1x1xf32, #tpu.memory_space<vmem>>, vector<1x1xf32>
    tpu.vector_store %arg2[%swap3A, %swap3A_35], %broadcast_in_dim3A_34 {strides = array<i32>} : memref<1x1xf32, #tpu.memory_space<vmem>>, vector<1x1xf32>,
    return
  }
}

module attributes {stable_mosaic.version = 14 : i64} {
  func.func @_dist_body(%arg0: memref<512x1024xf32, #tpu.memory_space<vmem>>, %arg1: memref<1x512xi32, #tpu.memory_space<vmem>>, %arg2: memref<1024x128xf32, #tpu.memory_space<vmem>>, %arg3: memref<1x128xf32, #tpu.memory_space<vmem>>, %arg4: memref<512x512xf32, #tpu.memory_space<vmem>>) attributes {dimension_semantics = [], scalar_prefetch = 0 : i64, scratch_operands = 0 : i64, tpu.core_type = #tpu.core_type<tc>} {
    %get3A = arith.constant 0 : index
    %get3A_0 = arith.constant 0 : index
    %get3A_1 = vector.load %arg0[%get3A, %get3A_0] : memref<512x1024xf32, #tpu.memory_space<vmem>>, vector<512x1024xf32>
    %get3A_2 = arith.constant 0 : index
    %get3A_3 = arith.constant 0 : index
    %get3A_4 = vector.load %arg2[%get3A_2, %get3A_3] : memref<1024x128xf32, #tpu.memory_space<vmem>>, vector<1024x128xf32>
    %dot_general3A = arith.constant dense<0.000000e+00> : vector<512x128xf32>
    %dot_general3A_5 = tpu.matmul %get3A_1, %get3A_4, %dot_general3A {dimension_numbers = #tpu.dot_dimension_numbers<[1], [0], [0], [1], [0, 0, 1, 1], [], []>, transpose_lhs_hint = false} : vector<512x1024xf32>, vector<1024x128xf32>, vector<512x128xf32> -> vector<512x128xf32>
    %get3A_6 = arith.constant 0 : index
    %get3A_7 = arith.constant 0 : index
    %get3A_8 = vector.load %arg3[%get3A_6, %get3A_7] : memref<1x128xf32, #tpu.memory_space<vmem>>, vector<1x128xf32>
    %add3A = vector.broadcast %get3A_8 : vector<1x128xf32> to vector<512x128xf32>
    %add3A_9 = arith.addf %dot_general3A_5, %add3A : vector<512x128xf32>
    %mul3A = arith.mulf %add3A_9, %add3A_9 : vector<512x128xf32>
    %reduce_sum3A = arith.constant dense<0.000000e+00> : vector<512xf32>
    %reduce_sum3A_10 = vector.multi_reduction <add>, %mul3A, %reduce_sum3A [1] : vector<512x128xf32> to vector<512xf32>
    %dot_general3A_11 = arith.constant dense<0.000000e+00> : vector<512x512xf32>
    %dot_general3A_12 = tpu.matmul %add3A_9, %add3A_9, %dot_general3A_11 {dimension_numbers = #tpu.dot_dimension_numbers<[1], [1], [0], [0], [0, 0, 1, 0], [], []>, transpose_lhs_hint = false} : vector<512x128xf32>, vector<512x128xf32>, vector<512x512xf32> -> vector<512x512xf32>
    %broadcast_in_dim3A = vector.shape_cast %reduce_sum3A_10 : vector<512xf32> to vector<512x1xf32>
    %broadcast_in_dim3A_13 = vector.shape_cast %reduce_sum3A_10 : vector<512xf32> to vector<1x512xf32>
    %add3A_14 = vector.broadcast %broadcast_in_dim3A : vector<512x1xf32> to vector<512x512xf32>
    %add3A_15 = vector.broadcast %broadcast_in_dim3A_13 : vector<1x512xf32> to vector<512x512xf32>
    %add3A_16 = arith.addf %add3A_14, %add3A_15 : vector<512x512xf32>
    %mul3A_17 = arith.constant 2.000000e+00 : f32
    %mul3A_18 = vector.broadcast %mul3A_17 : f32 to vector<512x512xf32>
    %mul3A_19 = arith.mulf %mul3A_18, %dot_general3A_12 : vector<512x512xf32>
    %sub3A = arith.subf %add3A_16, %mul3A_19 : vector<512x512xf32>
    %max3A = arith.constant 0.000000e+00 : f32
    %max3A_20 = vector.broadcast %max3A : f32 to vector<512x512xf32>
    %max3A_21 = arith.maximumf %sub3A, %max3A_20 : vector<512x512xf32>
    %get3A_22 = arith.constant 0 : index
    %get3A_23 = arith.constant 0 : index
    %get3A_24 = vector.load %arg1[%get3A_22, %get3A_23] : memref<1x512xi32, #tpu.memory_space<vmem>>, vector<1x512xi32>
    %transpose3A = tpu.transpose %get3A_24, [1, 0] : vector<1x512xi32> -> vector<512x1xi32>
    %eq3A = vector.broadcast %transpose3A : vector<512x1xi32> to vector<512x512xi32>
    %eq3A_25 = vector.broadcast %get3A_24 : vector<1x512xi32> to vector<512x512xi32>
    %eq3A_26 = arith.cmpi eq, %eq3A, %eq3A_25 : vector<512x512xi32>
    %iota3A = tpu.iota {dimensions = array<i32: 0>} : vector<512x512xi32>
    %iota3A_27 = tpu.iota {dimensions = array<i32: 1>} : vector<512x512xi32>
    %ne3A = arith.cmpi ne, %iota3A, %iota3A_27 : vector<512x512xi32>
    %and3A = arith.andi %eq3A_26, %ne3A : vector<512x512xi1>
    %add3A_28 = arith.constant 1.000000e+00 : f32
    %add3A_29 = vector.broadcast %add3A_28 : f32 to vector<512x512xf32>
    %add3A_30 = arith.addf %max3A_21, %add3A_29 : vector<512x512xf32>
    %add3A_31 = arith.constant 1.000000e+00 : f32
    %add3A_32 = vector.broadcast %add3A_31 : f32 to vector<512x512xf32>
    %add3A_33 = arith.addf %add3A_32, %max3A_21 : vector<512x512xf32>
    %div3A = arith.constant -1.000000e+00 : f32
    %div3A_34 = vector.broadcast %div3A : f32 to vector<512x512xf32>
    %div3A_35 = arith.divf %div3A_34, %add3A_33 : vector<512x512xf32>
    %jit3A = arith.constant 5.000000e-01 : f32
    %broadcast_in_dim3A_36 = vector.broadcast %jit3A : f32 to vector<512x512xf32>
    %select_n3A = arith.select %eq3A_26, %broadcast_in_dim3A_36, %div3A_35 : vector<512x512xi1>, vector<512x512xf32>
    %select_n3A_37 = arith.select %and3A, %add3A_30, %select_n3A : vector<512x512xi1>, vector<512x512xf32>
    %swap3A = arith.constant 0 : index
    %swap3A_38 = arith.constant 0 : index
    %swap3A_39 = vector.load %arg4[%swap3A, %swap3A_38] : memref<512x512xf32, #tpu.memory_space<vmem>>, vector<512x512xf32>
    tpu.vector_store %arg4[%swap3A, %swap3A_38], %select_n3A_37 {strides = array<i32>} : memref<512x512xf32, #tpu.memory_space<vmem>>, vector<512x512xf32>,
    return
  }
}

</mosaic_0001>

<sc_bundles>
// kernel: kernel.5.cloned.1.call-start
scs
__scs_entry_jumppad:
0x0: {  	(pc) =	sbr.rel $0x88, $3  }
0x1: {  	(tag) =	ssettag $0x0;
	lr =	simm.s32 $0x1  }
0x2: {  	[smem:$0x3F9D] =	sst lr;
	_ =	strace $0xD0000000  }
0x3: {  	_ = 	snop  }
0x4: {  	_ = 	snop  }
0x5: {  	_ = 	snop  }
0x6: {  	_ = 	snop  }
0x7: {  	_ = 	snop  }
__scs_overlays_trampoline_lowered:
0x8: {  	[smem:$0x3FAC] =	sst s0  }
0x9: {  	[smem:$0x3FAD] =	sst s1  }
0xa: {  	[smem:$0x3FAE] =	sst s2  }
0xb: {  	[smem:$0x3FAF] =	sst s3  }
0xc: {  	[smem:$0x3FB0] =	sst s4  }
0xd: {  	[smem:$0x3FB1] =	sst s5  }
0xe: {  	[smem:$0x3FB2] =	sst s6  }
0xf: {  	[smem:$0x3FB3] =	sst s7  }
0x10: {  	[smem:$0x3FB4] =	sst s8  }
0x11: {  	[smem:$0x3FB5] =	sst s9;
	s0 =	simm.s32 @!p0 $0x0  }
0x12: {  	s1 =	sld [smem:$0x3F9B];
	s0 =	simm.s32 @p0 $0x1  }
0x13: {  	[smem:$0x3FB6] =	sst s0;
	s0 =	simm.s32 @!p1 $0x0  }
0x14: {  	s2 =	sld [smem:$0x3F9A];
	s0 =	simm.s32 @p1 $0x1  }
0x15: {  	[smem:$0x3FB7] =	sst s0;
	s0 =	simm.s32 @!p2 $0x0  }
0x16: {  	s3 =	sld [smem:$0x3FDB];
	s0 =	simm.s32 @p2 $0x1  }
0x17: {  	s4 =	simm.s32 $0x1BF5;
	[smem:$0x3FB9] =	sst s0  }
0x18: {  	s0 =	sld [smem:$0x3F9C];
	_ =	swait.ge [sflag:s4], $0x0  }
0x19: {  	s7 =	sld [smem:$0x3F9D]  }
0x1a: {  	s8 =	sadd.s32 $0xFFFFE003, lr  }
0x1b: {  	s9 =	sadd.s32 $0xFFFFFEF7, lr;
	s5 =	simm.s32 $0xFFFFFFFF;
	p2 =	slt.u32 s8, $0xFFFFF086  }
0x1c: {  	p1 =	slt.u32 s9, $0xF7A;
	s5 =	simm.s32 @!p2 $0x0  }
0x1d: {  	s5 =	simm.s32 @p1 $0x1;
	p0 =	seq.s32 s7, s2  }
0x1e: {  	s7 =	smul.u32 @!p0 $0xF7A, s2;
	p2 =	seq.s32 @!p0 s5, $0x0  }
0x1f: {  	s9 =	smul.u32 $0xF7A, s1;
	s8 =	simm.s32 @!p0 $0x1BF5;
	p2 =	por !p2, p0  }
0x20: {  	[sflag:s8] =	ssyncset.s32 @!p0 $0xFFFFF086;
	s6 =	sadd.s32 @!p0 s3, s7;
	s7 =	simm.s32 @!p0 $0x108  }
0x21: {  	s3 =	sadd.s32 s3, s9;
	s6 =	sadd.s32 @!p0 $0x88, s6;
	s7 =	simm.s32 @p2 $0x1082  }
0x22: {  	[simem:s7], [sflag:s8] =	dma.local @!p0 [hbm:s6], $0xF7A  }
0x23: {  	s9 =	sor.u32 $0xD0000000, s2;
	s6 =	simm.s32 $0x108;
	_ =	swait.ge @!p0 [sflag:s8], $0x0  }
0x24: {  	s3 =	sadd.s32 $0x88, s3;
	s6 =	simm.s32 @!p1 $0x1082;
	[sflag:s4] =	ssyncset.s32 $0xFFFFF086  }
0x25: {  	[simem:s6], [sflag:s4] =	dma.local [hbm:s3], $0xF7A  }
0x26: {  	[smem:$0x3F9D] =	sst s1;
	(tag) =	ssettag s2;
	_ =	strace s9  }
0x27: {  	s1 =	sld [smem:$0x3FAD]  }
0x28: {  	s2 =	sld [smem:$0x3FAE]  }
0x29: {  	s4 =	sld [smem:$0x3FB0]  }
0x2a: {  	p0 =	seq.s32 s5, $0x0;
	s5 =	sld [smem:$0x3FB1]  }
0x2b: {  	s6 =	sld [smem:$0x3FB2]  }
0x2c: {  	s7 =	sld [smem:$0x3FB3]  }
0x2d: {  	s3 =	simm.s32 $0x108;
	s8 =	sld [smem:$0x3FB4]  }
0x2e: {  	s3 =	simm.s32 @!p0 $0x1082;
	s9 =	sld [smem:$0x3FB5]  }
0x2f: {  	lr =	sadd.s32 s0, s3;
	s0 =	sld [smem:$0x3FAC]  }
0x30: {  	s3 =	sld [smem:$0x3FAF]  }
0x31: {  	[smem:$0x3FB8] =	sst s10  }
0x32: {  	s10 =	sld [smem:$0x3FB6];
	_ =	sdelay $0x3  }
0x33: {  	p0 =	seq.s32 s10, $0x1;
	s10 =	sld [smem:$0x3FB8];
	_ =	sdelay $0x3  }
0x34: {  	[smem:$0x3FB8] =	sst s10  }
0x35: {  	s10 =	sld [smem:$0x3FB7];
	_ =	sdelay $0x3  }
0x36: {  	p1 =	seq.s32 s10, $0x1;
	s10 =	sld [smem:$0x3FB8];
	_ =	sdelay $0x3  }
0x37: {  	[smem:$0x3FB8] =	sst s10  }
0x38: {  	s10 =	sld [smem:$0x3FB9]  }
0x39: {  	_ = 	snop;
	(pc) =	sbr.ind lr, $3  }
0x3a: {  	_ = 	snop  }
0x3b: {  	_ = 	snop  }
0x3c: {  	p2 =	seq.s32 s10, $0x1;
	s10 =	sld [smem:$0x3FB8]  }
0x3d: {  	_ =	shalt  }
0x3e: {  	_ =	shalt  }
0x3f: {  	_ =	shalt  }
0x40: {  	_ =	shalt  }
0x41: {  	_ =	shalt  }
0x42: {  	_ =	shalt  }
0x43: {  	_ =	shalt  }
0x44: {  	_ =	shalt  }
0x45: {  	_ =	shalt  }
0x46: {  	_ =	shalt  }
0x47: {  	_ =	shalt  }
0x48: {  	_ =	shalt  }
0x49: {  	_ =	shalt  }
0x4a: {  	_ =	shalt  }
0x4b: {  	_ =	shalt  }
0x4c: {  	_ =	shalt  }
0x4d: {  	_ =	shalt  }
0x4e: {  	_ =	shalt  }
0x4f: {  	_ =	shalt  }
0x50: {  	_ =	shalt  }
0x51: {  	_ =	shalt  }
0x52: {  	_ =	shalt  }
0x53: {  	_ =	shalt  }
0x54: {  	_ =	shalt  }
0x55: {  	_ =	shalt  }
0x56: {  	_ =	shalt  }
0x57: {  	_ =	shalt  }
0x58: {  	_ =	shalt  }
0x59: {  	_ =	shalt  }
0x5a: {  	_ =	shalt  }
0x5b: {  	_ =	shalt  }
0x5c: {  	_ =	shalt  }
0x5d: {  	_ =	shalt  }
0x5e: {  	_ =	shalt  }
0x5f: {  	_ =	shalt  }
0x60: {  	_ =	shalt  }
0x61: {  	_ =	shalt  }
0x62: {  	_ =	shalt  }
0x63: {  	_ =	shalt  }
0x64: {  	_ =	shalt  }
0x65: {  	_ =	shalt  }
0x66: {  	_ =	shalt  }
0x67: {  	_ =	shalt  }
0x68: {  	_ =	shalt  }
0x69: {  	_ =	shalt  }
0x6a: {  	_ =	shalt  }
0x6b: {  	_ =	shalt  }
0x6c: {  	_ =	shalt  }
0x6d: {  	_ =	shalt  }
0x6e: {  	_ =	shalt  }
0x6f: {  	_ =	shalt  }
0x70: {  	_ =	shalt  }
0x71: {  	_ =	shalt  }
0x72: {  	_ =	shalt  }
0x73: {  	_ =	shalt  }
0x74: {  	_ =	shalt  }
0x75: {  	_ =	shalt  }
0x76: {  	_ =	shalt  }
0x77: {  	_ =	shalt  }
0x78: {  	_ =	shalt  }
0x79: {  	_ =	shalt  }
0x7a: {  	_ =	shalt  }
0x7b: {  	_ =	shalt  }
0x7c: {  	_ =	shalt  }
0x7d: {  	_ =	shalt  }
0x7e: {  	_ =	shalt  }
0x7f: {  	_ =	shalt  }
0x80: {  	_ =	shalt  }
0x81: {  	_ =	shalt  }
0x82: {  	_ =	shalt  }
0x83: {  	_ =	shalt  }
0x84: {  	_ =	shalt  }
0x85: {  	_ =	shalt  }
0x86: {  	_ =	shalt  }
0x87: {  	_ =	shalt  }
.Lfunc_end0:
.L_simem_size_0:
called_computation_lowered:
.L_overlay_start_0:
0x88: {  	s2 =	sld [smem:$0x3FD9]  }
0x89: {  	s3 =	sld [smem:$0x3FFE];
	_ =	sdelay $0x1  }
0x8a: {  	s1 =	srdreg.scid  }
0x8b: {  	s0 =	sand.u32 $0x1, s1  }
0x8c: {  	s16 =	sshll.u32 s0, $0xA;
	s2 =	sadd.s32 s3, s2  }
0x8d: {  	s2 =	sadd.s32 s2, s16  }
0x8e: {  	[smem:$0x3FC4] =	sst s2  }
0x8f: {  	_ = 	snop  }
0x90: {  	(tm) =	ssettm $0x1  }
0x91: {  	s17 =	sld [smem:$0x3FFB];
	_ =	sdelay $0x3  }
0x92: {  	_ =	strace s17  }
0x93: {  	s2 =	sld [smem:$0x3FFC];
	_ =	sdelay $0x3  }
0x94: {  	_ =	strace s2  }
0x95: {  	s2 =	sld [smem:$0x3FFD];
	_ =	sdelay $0x3  }
0x96: {  	_ =	strace s2  }
0x97: {  	_ =	strace $0x8FFFFFFF  }
0x98: {  	s18 =	sld [smem:$0x3FDB];
	_ =	sdelay $0x1  }
0x99: {  	s19 =	simm.s32 $_scs_section_size  }
0x9a: {  	s4 =	simm.s32 $_size__tile_overlayer_lowered;
	s5 =	simm.s32 $_tile_overlayer_lowered  }
0x9b: {  	s22 =	simm.s32 $0x1BFF;
	s21 =	sshll.u32 s5, $0x1;
	s2 =	sadd.s32 s19, s18  }
0x9c: {  	s6 =	simm.s32 $0x0;
	s20 =	sshll.u32 s4, $0x1;
	s4 =	sadd.s32 s21, s2  }
0x9d: {  	[timem:s6], [sflag:s22] =	dma.local [hbm:s4], s20  }
0x9e: {  	_ =	swait.ge [sflag:s22], s20  }
0x9f: {  	s3 =	ssub.s32 $0x0, s20;
	[sflag:s22] =	ssyncset.done $0x0  }
0xa0: {  	[sflag:s22] =	ssyncadd.s32 s3;
	_ =	sdelay $0x1  }
0xa1: {  	s23 =	simm.s32 $0x1B8B  }
0xa2: {  	_ =	swait.ge [sflag:s23], $0x1  }
0xa3: {  	[sflag:s23] =	ssyncset.done $0x0  }
0xa4: {  	s25 =	simm.s32 $0x1B8E;
	s24 =	sld [smem:$0x3FFE];
	[sflag:s23] =	ssyncadd.s32 $0xFFFFFFFF  }
0xa5: {  	s26 =	simm.s32 $execute0_lowered;
	[smem:$0x3FD2] =	sst s25  }
0xa6: {  	s4 =	sshll.u32 s26, $0x1;
	_ =	strace $0x80000046;
	[dreg:$0x1] =	wrdreg $0xFFFFFFFF  }
0xa7: {  	s28 =	simm.s32 $_size_execute0_lowered;
	s2 =	sadd.s32 s2, s4;
	[dreg:$0x0] =	wrdreg $0x0  }
0xa8: {  	s4 =	sshll.u32 s28, $0x1;
	[dreg:$0x2] =	wrdreg s2  }
0xa9: {  	[dreg:$0x3] =	wrdreg s4  }
0xaa: {  	[dreg:$0x4] =	wrdreg $0xC0  }
0xab: {  	_ =	task [dreg:s6], $0x5FFFF  }
0xac: {  	[dreg:$0x1] =	wrdreg $0xFFFFFFFF  }
0xad: {  	[dreg:$0x0] =	wrdreg $0x60  }
0xae: {  	[dreg:$0x2] =	wrdreg s24  }
0xaf: {  	[dreg:$0x3] =	wrdreg $0x9  }
0xb0: {  	_ =	task.clear_ibuf [dreg:s6], $0x4FFFF;
	_ =	strace $0x90000046  }
0xb1: {  	s29 =	simm.s32 $0x9;
	_ =	strace $0x80000048  }
0xb2: {  	_ =	swait.ge [sflag:s29], $0x1  }
0xb3: {  	[sflag:s29] =	ssyncadd.s32 $0xFFFFFFFF  }
0xb4: {  	_ =	strace $0x90000048  }
0xb5: {  	_ =	sfence  }
0xb6: {  	s30 =	sld [smem:$0x0];
	_ =	sdelay $0x2  }
0xb7: {  	s31 =	sshll.u32 s1, $0xD;
	s1 =	sshrl.u32 s1, $0x2  }
0xb8: {  	s3 =	sand.u32 $0x4000, s31;
	s1 =	sadd.s32 s1, s30  }
0xb9: {  	s0 =	sor.u32 s3, s0;
	s1 =	sshll.u32 s1, $0x11  }
0xba: {  	s0 =	sor.u32 s1, s0  }
0xbb: {  	s0 =	sadd.s32 $0x8F2B, s0  }
0xbc: {  	[sflag:s0] =	ssyncadd.remote.s32 $0x1  }
0xbd: {  	_ =	sfence.sel $0xFFFF  }
0xbe: {  	[dreg:$0x0] =	wrdreg $0xFFFFFFFF;
	(pc) =	sbr.abs _section_cstart, $3  }
0xbf: {  	[dreg:$0x1] =	wrdreg $0xFFFFFFFF  }
0xc0: {  	_ =	task.clear_ibuf [dreg:s6], $0x2FFFF;
	_ =	strace $0x9FFFFFFF  }
0xc1: {  	(tm) =	ssettm $0x7FFFFFFF  }
tec
execute0_lowered:
.L_overlay_start_1:
0x0: {  	(tag) =	ssettag $0x1  }
0x1: {  	s3 =	rddreg [dreg:$0x0];
	s2 =	srdreg.scid  }
0x2: {  	s0 =	rddreg [dreg:$0x1];
	s1 =	stileid.u32  }
0x3: {  	s8 =	simm.s32 $0x2000;
	s9 =	simm.s32 $0x2100;
	s10 =	simm.s32 $0x2200  }
0x4: {  	s11 =	simm.s32 $0x2280;
	s12 =	simm.s32 $0x0;
	s4 =	sand.u32 $0x1, s2  }
0x5: {  	s2 =	simm.s32 $0x0;
	s5 =	sshll.u32 s1, $0x5;
	s6 =	sshll.u32 s4, $0x4  }
0x6: {  	[smem:$0x7FF] =	sst s2;
	s4 =	ssub.s32 $0x2, s4;
	s5 =	sor.u32 s6, s5  }
0x7: {  	_ =	strace $0x80000047;
	s6 =	sshll.u32 s5, $0x6;
	s5 =	sshrl.u32 s5, $0x3  }
0x8: {  	s7 =	sshrl.u32 s4, $0x1;
	s6 =	sadd.s32 s6, s3;
	s5 =	sadd.s32 s5, s3  }
0x9: {  	v0 =	vlaneseq.u32;
	s7 =	ssub.s32 s4, s7;
	s3 =	sadd.s32 $0x1600, s6;
	s4 =	sadd.s32 $0x9600, s5  }
0xa: {  	v0 =	vmul.u32 $0x10, v0;
	s5 =	sadd.s32 $0x9800, s5;
	s6 =	smax.u32 s7, $0x1;
	s7 =	simm.s32 $0x1  }
.LBB2_1:
0xb: {  	[tilespmem:s2], [sflag:$0x1] =	stream.linear.gather [hbm4b:s3+s2], $0x2000, $0x38;
	[tilespmem:$0x2300] =	vst v63  }
0xc: {  	_ =	swait.ge [sflag:s7], $0x2000  }
0xd: {  	s13 =	sand.u32 $0x1000, s2;
	s14 =	sand.u32 $0x380, s2;
	[sflag:s7] =	ssyncset.done $0x0  }
0xe: {  	s15 =	simm.s32 $0x1;
	s14 =	sor.u32 s14, s13;
	[sflag:s7] =	ssyncadd.s32 $0xFFFFE000  }
0xf: {  	s16 =	simm.s32 $0x0;
	s17 =	simm.s32 $0x0;
	s13 =	simm.s32 $0x0;
	v1 =	vld [tilespmem:s14+$0x10]  }
.LBB2_2:
0x10: {  	p0 =	sne.s32 s15, $0xF;
	v2 =	vld [tilespmem:s14+$0x0]  }
0x11: {  	v3 =	vld [tilespmem:s14+$0x20]  }
0x12: {  	v4 =	vld [tilespmem:s14+$0x30]  }
0x13: {  	v5 =	vld [tilespmem:s14+$0x40]  }
0x14: {  	v6 =	vld [tilespmem:s14+$0x50]  }
0x15: {  	v7 =	vmax.f32 v2, v1;
	v1 =	vmin.f32 v2, v1;
	v2 =	vld [tilespmem:s14+$0x60]  }
0x16: {  	v7 =	vmax.f32 v7, v3;
	v1 =	vmin.f32 v1, v3;
	v3 =	vld [tilespmem:s14+$0x70]  }
0x17: {  	v7 =	vmax.f32 v7, v4;
	v8 =	vld [tilespmem:s14+$0x400]  }
0x18: {  	v1 =	vmin.f32 v1, v4;
	v4 =	vmax.f32 v7, v5;
	v7 =	vld [tilespmem:s14+$0x410]  }
0x19: {  	v1 =	vmin.f32 v1, v5;
	v4 =	vmax.f32 v4, v6;
	v5 =	vld [tilespmem:s14+$0x420]  }
0x1a: {  	v1 =	vmin.f32 v1, v6;
	v4 =	vmax.f32 v4, v2;
	v6 =	vld [tilespmem:s14+$0x430]  }
0x1b: {  	v1 =	vmin.f32 v1, v2;
	v2 =	vmax.f32 v4, v3;
	v4 =	vld [tilespmem:s14+$0x440]  }
0x1c: {  	v1 =	vmin.f32 v1, v3;
	v2 =	vmax.f32 v2, v8;
	v3 =	vld [tilespmem:s14+$0x450]  }
0x1d: {  	v1 =	vmin.f32 v1, v8;
	v2 =	vmax.f32 v2, v7;
	v8 =	vld [tilespmem:s14+$0x460]  }
0x1e: {  	v1 =	vmin.f32 v1, v7;
	v2 =	vmax.f32 v2, v5;
	v7 =	vld [tilespmem:s14+$0x470]  }
0x1f: {  	v1 =	vmin.f32 v1, v5;
	v2 =	vmax.f32 v2, v6;
	v5 =	vld [tilespmem:s14+$0x800]  }
0x20: {  	v1 =	vmin.f32 v1, v6;
	v2 =	vmax.f32 v2, v4;
	v6 =	vld [tilespmem:s14+$0x810]  }
0x21: {  	v1 =	vmin.f32 v1, v4;
	v2 =	vmax.f32 v2, v3;
	v4 =	vld [tilespmem:s14+$0x820]  }
0x22: {  	v1 =	vmin.f32 v1, v3;
	v2 =	vmax.f32 v2, v8;
	v3 =	vld [tilespmem:s14+$0x830]  }
0x23: {  	v1 =	vmin.f32 v1, v8;
	v2 =	vmax.f32 v2, v7;
	v8 =	vld [tilespmem:s14+$0x840]  }
0x24: {  	v1 =	vmin.f32 v1, v7;
	v2 =	vmax.f32 v2, v5;
	v7 =	vld [tilespmem:s14+$0x850]  }
0x25: {  	v1 =	vmin.f32 v1, v5;
	v2 =	vmax.f32 v2, v6;
	v5 =	vld [tilespmem:s14+$0x860]  }
0x26: {  	v1 =	vmin.f32 v1, v6;
	v2 =	vmax.f32 v2, v4;
	v6 =	vld [tilespmem:s14+$0x870]  }
0x27: {  	v1 =	vmin.f32 v1, v4;
	v2 =	vmax.f32 v2, v3;
	v4 =	vld [tilespmem:s14+$0xC00]  }
0x28: {  	v1 =	vmin.f32 v1, v3;
	v2 =	vmax.f32 v2, v8;
	v3 =	vld [tilespmem:s14+$0xC10]  }
0x29: {  	v1 =	vmin.f32 v1, v8;
	v2 =	vmax.f32 v2, v7;
	v8 =	vld [tilespmem:s14+$0xC20]  }
0x2a: {  	v1 =	vmin.f32 v1, v7;
	v2 =	vmax.f32 v2, v5;
	v7 =	vld [tilespmem:s14+$0xC30]  }
0x2b: {  	v1 =	vmin.f32 v1, v5;
	v2 =	vmax.f32 v2, v6;
	v5 =	vld [tilespmem:s14+$0xC40]  }
0x2c: {  	v1 =	vmin.f32 v1, v6;
	v2 =	vmax.f32 v2, v4;
	v6 =	vld [tilespmem:s14+$0xC50]  }
0x2d: {  	v1 =	vmin.f32 v1, v4;
	v2 =	vmax.f32 v2, v3;
	v4 =	vld [tilespmem:s14+$0xC60]  }
0x2e: {  	v1 =	vmin.f32 v1, v3;
	v2 =	vmax.f32 v2, v8;
	v3 =	vld [tilespmem:s14+$0xC70]  }
0x2f: {  	v1 =	vmin.f32 v1, v8;
	v8 =	vor.u32 s13, v0;
	s13 =	smov.u32 s15;
	v2 =	vmax.f32 v2, v7  }
0x30: {  	v1 =	vmin.f32 v1, v7;
	v2 =	vmax.f32 v2, v5  }
0x31: {  	v1 =	vmin.f32 v1, v5;
	v2 =	vmax.f32 v2, v6  }
.Ltmp0:
0x32: {  	v1 =	vmin.f32 v1, v6;
	v2 =	vmax.f32 v2, v4;
	(pc) =	sbr.rel @p0 .LBB2_2-.Ltmp0, $4  }
0x33: {  	s16 =	sadd.s32 $0x80, s16;
	s17 =	sadd.s32 $0x200, s17;
	v1 =	vmin.f32 v1, v4;
	v2 =	vmax.f32 v2, v3  }
0x34: {  	s18 =	sand.u32 $0x380, s16;
	s14 =	sand.u32 $0x1000, s17;
	v1 =	vmin.f32 v1, v3;
	[tilespmem:v8+s8+$0x0] =	vst.idx.msk $0xffff, v2  }
0x35: {  	s14 =	sor.u32 s18, s14;
	[tilespmem:v8+s9+$0x0] =	vst.idx.msk $0xffff, v1  }
0x36: {  	s15 =	sadd.s32 $0x1, s15;
	v1 =	vld [tilespmem:s14+$0x10]  }
0x37: {  	v2 =	vld [tilespmem:s14+$0x0]  }
0x38: {  	v3 =	vld [tilespmem:s14+$0x20]  }
0x39: {  	v4 =	vld [tilespmem:s14+$0x30]  }
0x3a: {  	v5 =	vld [tilespmem:s14+$0x40]  }
0x3b: {  	v6 =	vld [tilespmem:s14+$0x50]  }
0x3c: {  	v8 =	vld [tilespmem:s14+$0x60];
	v7 =	vmax.f32 v2, v1  }
0x3d: {  	v29 =	vld [tilespmem:s14+$0x70];
	v1 =	vmin.f32 v2, v1;
	v2 =	vmax.f32 v7, v3  }
0x3e: {  	v1 =	vmin.f32 v1, v3;
	v3 =	vld [tilespmem:s14+$0x400];
	v2 =	vmax.f32 v2, v4  }
0x3f: {  	v30 =	vld [tilespmem:s14+$0x410];
	v1 =	vmin.f32 v1, v4;
	v2 =	vmax.f32 v2, v5  }
0x40: {  	v31 =	vld [tilespmem:s14+$0x420];
	v1 =	vmin.f32 v1, v5;
	v2 =	vmax.f32 v2, v6  }
0x41: {  	v32 =	vld [tilespmem:s14+$0x430];
	v1 =	vmin.f32 v1, v6;
	v2 =	vmax.f32 v2, v8  }
0x42: {  	v33 =	vld [tilespmem:s14+$0x440];
	v1 =	vmin.f32 v1, v8;
	v2 =	vmax.f32 v2, v29  }
0x43: {  	v34 =	vld [tilespmem:s14+$0x450];
	v1 =	vmin.f32 v1, v29;
	v2 =	vmax.f32 v2, v3  }
0x44: {  	v1 =	vmin.f32 v1, v3;
	v3 =	vld [tilespmem:s14+$0x460];
	v2 =	vmax.f32 v2, v30  }
0x45: {  	v35 =	vld [tilespmem:s14+$0x470];
	v1 =	vmin.f32 v1, v30;
	v2 =	vmax.f32 v2, v31  }
0x46: {  	v36 =	vld [tilespmem:s14+$0x800];
	v1 =	vmin.f32 v1, v31;
	v2 =	vmax.f32 v2, v32  }
0x47: {  	v37 =	vld [tilespmem:s14+$0x810];
	v1 =	vmin.f32 v1, v32;
	v2 =	vmax.f32 v2, v33  }
0x48: {  	v38 =	vld [tilespmem:s14+$0x820];
	v1 =	vmin.f32 v1, v33;
	v2 =	vmax.f32 v2, v34  }
0x49: {  	v39 =	vld [tilespmem:s14+$0x830];
	v1 =	vmin.f32 v1, v34;
	v2 =	vmax.f32 v2, v3  }
0x4a: {  	v1 =	vmin.f32 v1, v3;
	v3 =	vld [tilespmem:s14+$0x840];
	v2 =	vmax.f32 v2, v35  }
0x4b: {  	v40 =	vld [tilespmem:s14+$0x850];
	v1 =	vmin.f32 v1, v35;
	v2 =	vmax.f32 v2, v36  }
0x4c: {  	v41 =	vld [tilespmem:s14+$0x860];
	v1 =	vmin.f32 v1, v36;
	v2 =	vmax.f32 v2, v37  }
0x4d: {  	v42 =	vld [tilespmem:s14+$0x870];
	v1 =	vmin.f32 v1, v37;
	v2 =	vmax.f32 v2, v38  }
0x4e: {  	v43 =	vld [tilespmem:s14+$0xC00];
	v1 =	vmin.f32 v1, v38;
	v2 =	vmax.f32 v2, v39  }
0x4f: {  	v44 =	vld [tilespmem:s14+$0xC10];
	v1 =	vmin.f32 v1, v39;
	v2 =	vmax.f32 v2, v3  }
0x50: {  	v1 =	vmin.f32 v1, v3;
	v3 =	vld [tilespmem:s14+$0xC20];
	v2 =	vmax.f32 v2, v40  }
0x51: {  	v45 =	vld [tilespmem:s14+$0xC30];
	v1 =	vmin.f32 v1, v40;
	v2 =	vmax.f32 v2, v41  }
0x52: {  	v46 =	vld [tilespmem:s14+$0xC40];
	v1 =	vmin.f32 v1, v41;
	v2 =	vmax.f32 v2, v42  }
0x53: {  	v47 =	vld [tilespmem:s14+$0xC50];
	v1 =	vmin.f32 v1, v42;
	v2 =	vmax.f32 v2, v43  }
0x54: {  	v48 =	vld [tilespmem:s14+$0xC60];
	v1 =	vmin.f32 v1, v43;
	v2 =	vmax.f32 v2, v44  }
0x55: {  	v49 =	vld [tilespmem:s14+$0xC70];
	v1 =	vmin.f32 v1, v44;
	v2 =	vmax.f32 v2, v3  }
0x56: {  	v1 =	vmin.f32 v1, v3;
	v3 =	vor.u32 s13, v0;
	v2 =	vmax.f32 v2, v45  }
0x57: {  	v1 =	vmin.f32 v1, v45;
	v2 =	vmax.f32 v2, v46  }
0x58: {  	v1 =	vmin.f32 v1, v46;
	v2 =	vmax.f32 v2, v47  }
0x59: {  	v1 =	vmin.f32 v1, v47;
	v2 =	vmax.f32 v2, v48  }
0x5a: {  	v1 =	vmin.f32 v1, v48;
	v2 =	vmax.f32 v2, v49  }
0x5b: {  	v1 =	vmin.f32 v1, v49;
	[tilespmem:v3+s8+$0x0] =	vst.idx.msk $0xffff, v2  }
0x5c: {  	[tilespmem:v3+s9+$0x0] =	vst.idx.msk $0xffff, v1  }
0x5d: {  	v1 =	vld [tilespmem:$0x2000]  }
0x5e: {  	v2 =	vld [tilespmem:$0x2100]  }
0x5f: {  	v3 =	vld [tilespmem:$0x2010]  }
0x60: {  	v50 =	vld [tilespmem:$0x2110]  }
0x61: {  	v51 =	vld [tilespmem:$0x2020]  }
0x62: {  	v52 =	vld [tilespmem:$0x2120]  }
0x63: {  	v53 =	vld [tilespmem:$0x2030]  }
0x64: {  	v54 =	vld [tilespmem:$0x2130]  }
0x65: {  	v9 =	vld [tilespmem:$0x2040]  }
0x66: {  	v10 =	vld [tilespmem:$0x2140]  }
0x67: {  	v11 =	vld [tilespmem:$0x2050]  }
0x68: {  	v12 =	vld [tilespmem:$0x2150]  }
0x69: {  	v13 =	vld [tilespmem:$0x2060]  }
0x6a: {  	v14 =	vld [tilespmem:$0x2160]  }
0x6b: {  	v15 =	vld [tilespmem:$0x2070]  }
0x6c: {  	v16 =	vld [tilespmem:$0x2170]  }
0x6d: {  	v17 =	vld [tilespmem:$0x2080]  }
0x6e: {  	v18 =	vld [tilespmem:$0x2180]  }
0x6f: {  	v19 =	vld [tilespmem:$0x2090]  }
0x70: {  	v20 =	vld [tilespmem:$0x2190]  }
0x71: {  	v21 =	vld [tilespmem:$0x20A0]  }
0x72: {  	v55 =	vld [tilespmem:$0x20B0];
	v1 =	vmax.f32 v1, v3  }
0x73: {  	v56 =	vld [tilespmem:$0x21B0];
	v2 =	vmin.f32 v2, v50;
	v1 =	vmax.f32 v1, v51  }
0x74: {  	v57 =	vld [tilespmem:$0x20C0];
	v2 =	vmin.f32 v2, v52;
	v1 =	vmax.f32 v1, v53  }
0x75: {  	v58 =	vld [tilespmem:$0x21C0];
	v2 =	vmin.f32 v2, v54;
	v1 =	vmax.f32 v1, v9  }
0x76: {  	v59 =	vld [tilespmem:$0x20D0];
	v2 =	vmin.f32 v2, v10;
	v1 =	vmax.f32 v1, v11  }
0x77: {  	v3 =	vld [tilespmem:$0x21A0];
	v2 =	vmin.f32 v2, v12;
	v1 =	vmax.f32 v1, v13  }
0x78: {  	v60 =	vld [tilespmem:$0x21D0];
	v2 =	vmin.f32 v2, v14;
	v1 =	vmax.f32 v1, v15  }
0x79: {  	v61 =	vld [tilespmem:$0x20E0];
	v2 =	vmin.f32 v2, v16;
	v1 =	vmax.f32 v1, v17  }
0x7a: {  	v62 =	vld [tilespmem:$0x21E0];
	v2 =	vmin.f32 v2, v18;
	v1 =	vmax.f32 v1, v19  }
0x7b: {  	v63 =	vld [tilespmem:$0x20F0];
	v2 =	vmin.f32 v2, v20;
	v1 =	vmax.f32 v1, v21  }
0x7c: {  	v2 =	vmin.f32 v2, v3;
	v3 =	vld [tilespmem:$0x21F0];
	v1 =	vmax.f32 v1, v55  }
0x7d: {  	v2 =	vmin.f32 v2, v56;
	v1 =	vmax.f32 v1, v57  }
0x7e: {  	v2 =	vmin.f32 v2, v58;
	v1 =	vmax.f32 v1, v59  }
0x7f: {  	v2 =	vmin.f32 v2, v60;
	v1 =	vmax.f32 v1, v61  }
0x80: {  	v2 =	vmin.f32 v2, v62;
	v1 =	vmax.f32 v1, v63  }
0x81: {  	v2 =	vmin.f32 v2, v3;
	[tilespmem:$0x2200] =	vst v1  }
0x82: {  	[tilespmem:$0x2280] =	vst v2  }
0x83: {  	[hbm4b:s4+s2] =	stream.linear.scatter [tilespmem:s10], [sflag:$0x1], $0x10, $0x38;
	[tilespmem:$0x2300] =	vst v63  }
0x84: {  	s12 =	sadd.s32 $0x1, s12;
	_ =	swait.ge [sflag:s7], $0x10  }
0x85: {  	p0 =	sne.s32 s12, s6;
	[sflag:s7] =	ssyncset.done $0x0  }
.Ltmp1:
0x86: {  	[sflag:s7] =	ssyncadd.s32 $0xFFFFFFF0;
	(pc) =	sbr.rel @p0 .LBB2_1-.Ltmp1, $4  }
0x87: {  	[hbm4b:s5+s2] =	stream.linear.scatter [tilespmem:s11], [sflag:$0x1], $0x10, $0x38;
	[tilespmem:$0x2300] =	vst v63  }
0x88: {  	_ =	swait.ge [sflag:s7], $0x10  }
0x89: {  	[sflag:s7] =	ssyncset.done $0x0  }
0x8a: {  	[sflag:s7] =	ssyncadd.s32 $0xFFFFFFF0  }
0x8b: {  	_ =	sfence.sel $0x180000  }
0x8c: {  	[bflag:$0x0] =	sbarrier.arrive $0xFFFF  }
0x8d: {  	p0 =	sne.s32 s1, $0x0;
	_ =	strace $0x90000047  }
0x8e: {  	s0 =	sadd.s32 @!p0 $0x100000, s0;
	[bflag:$0x2] =	sbarrier.arrive $0xFFFF  }
0x8f: {  	[sflag:s0] =	ssyncadd.tile.s32 @!p0 $0x1;
	_ =	shalt  }
.Lfunc_end2:
_tile_overlayer_lowered:
.L_overlay_start_2:
0x90: {  	(tag) =	ssettag $0x2  }
0x91: {  	s0 =	rddreg [dreg:$0x0];
	s2 =	stileid.u32  }
0x92: {  	s1 =	rddreg [dreg:$0x1];
	p0 =	sne.s32 s2, $0x0  }
0x93: {  	s3 =	rddreg [dreg:$0x2];
	[bflag:$0x3] =	sbarrier.arrive $0xFFFF;
	s2 =	simm.s32 @!p0 $0x1C01  }
0x94: {  	[timem:s3], [sflag:s2] =	dma.local @!p0 [hbm:s0], s1  }
0x95: {  	s0 =	simm.s32 @!p0 $0x1  }
0x96: {  	_ =	swait.ge @!p0 [sflag:s0], s1  }
0x97: {  	s1 =	ssub.s32 @!p0 $0x0, s1;
	[sflag:s0] =	ssyncset.done @!p0 $0x0  }
0x98: {  	[sflag:s0] =	ssyncadd.s32 @!p0 s1  }
0x99: {  	[bflag:$0x3] =	sbarrier.arrive $0xFFFF  }
0x9a: {  	_ =	shalt  }

</sc_bundles>
